<compile_context>
chip_gen: v7x
topology: tpu7x:2x2x1
jax: 0.10.2.dev20260603
libtpu: 0.0.44.dev20260713+nightly
codegen_flags: <defaults>
</compile_context>

<pallas_src>
import functools

import jax
import jax.numpy as jnp
from jax import lax
from jax.experimental import pallas as pl
from jax.experimental.pallas import tpu as pltpu
from jax.experimental.pallas import tpu_sc as plsc

NUM_CODES = 1024
EMBED_DIM = 256
BETA = 0.25
BLK = 2048


def _vq_body(z_ref, c_ref, idx_ref, loss_ref, csq_ref, iota_ref):
    cb = c_ref[...]
    i = pl.program_id(0)

    @pl.when(i == 0)
    def _():
        csq_col = jnp.sum(cb * cb, axis=1, keepdims=True)
        csq_ref[...] = lax.transpose(csq_col, (1, 0))
        iota_ref[...] = lax.broadcasted_iota(
            jnp.int32, (BLK, NUM_CODES), 1).astype(jnp.float32)
        loss_ref[...] = jnp.zeros((1, 1), jnp.float32)

    zb = z_ref[...]
    s2 = lax.dot_general(zb + zb, cb, (((1,), (1,)), ((), ())))
    zsq = jnp.sum(zb * zb, axis=1, keepdims=True)
    d2 = (zsq + csq_ref[...]) - s2
    d2 = jnp.maximum(d2, 0.0)
    dist = jnp.sqrt(d2)
    minval = jnp.min(dist, axis=1, keepdims=True)
    idxf = jnp.min(
        jnp.where(dist == minval, iota_ref[...], jnp.float32(NUM_CODES)),
        axis=1)
    idx_ref[...] = idxf.astype(jnp.int32).reshape(idx_ref.shape)
    loss_ref[...] += jnp.sum(minval * minval).reshape(1, 1)

    @pl.when(i == pl.num_programs(0) - 1)
    def _():
        n_elem = pl.num_programs(0) * BLK * EMBED_DIM
        loss_ref[...] = (1.0 + BETA) * (loss_ref[...] / n_elem)


def _sc_gather(codebook, indices):
    info = plsc.get_sparse_core_info()
    nc, ns = info.num_cores, info.num_subcores
    nw = nc * ns
    n, d = indices.shape[0], codebook.shape[1]
    bpw = n // nw
    ch = 128
    nch = bpw // ch
    idx2 = indices.reshape(n // ch, ch)
    mesh = plsc.VectorSubcoreMesh(core_axis_name="c", subcore_axis_name="s")

    @functools.partial(
        pl.kernel, mesh=mesh,
        out_type=jax.ShapeDtypeStruct((n, d), jnp.float32),
        scratch_types=[
            pltpu.VMEM((ch,), jnp.int32),
            pltpu.VMEM((ch,), jnp.int32),
            pltpu.VMEM((bpw, d), jnp.float32),
            pltpu.SemaphoreType.DMA,
        ],
    )
    def gk(table_hbm, idx_hbm, out_hbm, ia, ib, rows, sem):
        w = lax.axis_index("s") * nc + lax.axis_index("c")
        r0 = w * nch
        pltpu.sync_copy(idx_hbm.at[r0], ia)
        c1 = pltpu.async_copy(table_hbm.at[ia], rows.at[pl.ds(0, ch)], sem)
        pltpu.sync_copy(idx_hbm.at[r0 + 1], ib)
        c2 = pltpu.async_copy(table_hbm.at[ib], rows.at[pl.ds(ch, ch)], sem)
        c1.wait()
        pltpu.sync_copy(rows.at[pl.ds(0, ch)],
                        out_hbm.at[pl.ds(w * bpw, ch)])
        c2.wait()
        pltpu.sync_copy(rows.at[pl.ds(ch, ch)],
                        out_hbm.at[pl.ds(w * bpw + ch, ch)])

    return gk(codebook, idx2)


def kernel(z, codebook):
    B, D, H, W = z.shape
    N = B * H * W
    M = codebook.shape[0]
    G = N // BLK

    z_flat = jnp.transpose(z, (0, 2, 3, 1)).reshape(N, D)

    rows_per_blk = BLK // 128
    idx2, loss11 = pl.pallas_call(
        _vq_body,
        grid=(G,),
        in_specs=[
            pl.BlockSpec((BLK, D), lambda i: (i, 0)),
            pl.BlockSpec((M, D), lambda i: (0, 0)),
        ],
        out_specs=[
            pl.BlockSpec((rows_per_blk, 128), lambda i: (i, 0)),
            pl.BlockSpec((1, 1), lambda i: (0, 0)),
        ],
        out_shape=[
            jax.ShapeDtypeStruct((N // 128, 128), jnp.int32),
            jax.ShapeDtypeStruct((1, 1), jnp.float32),
        ],
        scratch_shapes=[pltpu.VMEM((1, M), jnp.float32),
                        pltpu.VMEM((BLK, M), jnp.float32)],
    )(z_flat, codebook)

    q = _sc_gather(codebook, idx2.reshape(N))

    z_q = jnp.transpose(q.reshape(B, H, W, D), (0, 3, 1, 2))
    vq_loss = loss11.reshape(())
    return z_q, vq_loss, idx2.reshape(B, H, W)

# --- scband reference (transcript-rebuilt; emitter-appended) ---
"""Pipeline reference for scband-vqquantizer-17892833755568 (READ-ONLY COPY).

The authoritative reference and input builder live on the scoring server;
editing this copy changes nothing except your own understanding.
"""

import jax, jax.numpy as jnp
import numpy as np

NUM_CODES = 1024
EMBED_DIM = 256
BETA = 0.25

def setup_inputs(seed: int = 0) -> dict:
    key = jax.random.key(seed)
    k1, k2 = jax.random.split(key)
    z = jax.random.normal(k1, (8, 256, 32, 32), dtype=jnp.float32)
    codebook = jax.random.uniform(k2, (NUM_CODES, EMBED_DIM), dtype=jnp.float32,
                                  minval=-1.0 / NUM_CODES, maxval=1.0 / NUM_CODES)
    return {"z": z, "codebook": codebook}

def reference(z, codebook):
    B, D, H, W = z.shape
    z_flat = jnp.transpose(z, (0, 2, 3, 1)).reshape(-1, D)
    # torch.cdist (p=2) euclidean distances, expanded form to avoid O(N*M*D) memory
    z_sq = jnp.sum(z_flat * z_flat, axis=1, keepdims=True)          # [N, 1]
    c_sq = jnp.sum(codebook * codebook, axis=1)[None, :]            # [1, M]
    d2 = jnp.maximum(z_sq + c_sq - 2.0 * (z_flat @ codebook.T), 0.0)
    dist = jnp.sqrt(d2)                                             # [N, M]
    indices = jnp.argmin(dist, axis=-1)                             # [N]
    q = jnp.take(codebook, indices, axis=0)                         # [N, D]
    sg = jax.lax.stop_gradient
    vq_loss = jnp.mean((sg(z_flat) - q) ** 2) + BETA * jnp.mean((z_flat - sg(q)) ** 2)
    q_st = z_flat + sg(q - z_flat)
    z_q = jnp.transpose(q_st.reshape(B, H, W, D), (0, 3, 1, 2))
    return (z_q, vq_loss, indices.reshape(B, H, W))

if __name__ == "__main__":
    import jax
    _d = setup_inputs()
    print(jax.jit(kernel)(*tuple(_d.values())))

</pallas_src>

<mosaic_0001>
#map = affine_map<(d0, d1) -> (0, 0)>
module attributes {stable_mosaic.version = 14 : i64} {
  func.func @gk(%arg0: i32, %arg1: i32, %arg2: memref<1024x256xf32, #tpu.memory_space<hbm>>, %arg3: memref<64x128xi32, #tpu.memory_space<hbm>>, %arg4: memref<8192x256xf32, #tpu.memory_space<hbm>>, %arg5: memref<128xi32, #tpu.memory_space<vmem>>, %arg6: memref<128xi32, #tpu.memory_space<vmem>>, %arg7: memref<256x256xf32, #tpu.memory_space<vmem>>, %arg8: memref<!tpu.dma_semaphore, #tpu.memory_space<semaphore_mem>>) attributes {dimension_semantics = [#tpu.dimension_semantics<core_parallel>, #tpu.dimension_semantics<subcore_parallel>], iteration_bounds = array<i64: 2, 16>, scalar_prefetch = 0 : i64, scratch_operands = 4 : i64, tpu.core_type = #tpu.core_type<sc_vector_subcore>, window_params = [{transform_indices = #map}, {transform_indices = #map}, {transform_indices = #map}]} {
    %mul3A = arith.constant 2 : i32
    %mul3A_0 = arith.muli %arg1, %mul3A : i32
    %add3A = arith.addi %mul3A_0, %arg0 : i32
    %mul3A_1 = arith.constant 2 : i32
    %mul3A_2 = arith.muli %add3A, %mul3A_1 : i32
    "tpu.region"() ({
      %run_scoped3A = tpu.sem_alloc : memref<!tpu.dma_semaphore, #tpu.memory_space<semaphore_mem>>
      %dma_start3A_33 = arith.constant 0 : i32
      %dma_start3A_34 = tpu.memref_slice %arg3[%mul3A_2, %dma_start3A_33] : memref<64x128xi32, #tpu.memory_space<hbm>> -> memref<1x128xi32, #tpu.memory_space<hbm>>
      %dma_start3A_35 = tpu.memref_squeeze %dma_start3A_34 : memref<1x128xi32, #tpu.memory_space<hbm>> -> memref<128xi32, #tpu.memory_space<hbm>>
      %dma_start3A_36 = arith.constant 0 : i32
      %dma_start3A_37 = tpu.memref_slice %arg3[%mul3A_2, %dma_start3A_36] : memref<64x128xi32, #tpu.memory_space<hbm>> -> memref<1x128xi32, #tpu.memory_space<hbm>>
      %dma_start3A_38 = tpu.memref_squeeze %dma_start3A_37 : memref<1x128xi32, #tpu.memory_space<hbm>> -> memref<128xi32, #tpu.memory_space<hbm>>
      tpu.enqueue_dma source(%dma_start3A_38 : memref<128xi32, #tpu.memory_space<hbm>>) target(%arg5 : memref<128xi32, #tpu.memory_space<vmem>>) target_semaphore(%run_scoped3A : memref<!tpu.dma_semaphore, #tpu.memory_space<semaphore_mem>>)
      %dma_wait3A_39 = arith.constant 0 : i32
      %dma_wait3A_40 = tpu.memref_slice %arg3[%mul3A_2, %dma_wait3A_39] : memref<64x128xi32, #tpu.memory_space<hbm>> -> memref<1x128xi32, #tpu.memory_space<hbm>>
      %dma_wait3A_41 = tpu.memref_squeeze %dma_wait3A_40 : memref<1x128xi32, #tpu.memory_space<hbm>> -> memref<128xi32, #tpu.memory_space<hbm>>
      %dma_wait3A_42 = arith.constant 0 : i32
      %dma_wait3A_43 = tpu.memref_slice %arg3[%mul3A_2, %dma_wait3A_42] : memref<64x128xi32, #tpu.memory_space<hbm>> -> memref<1x128xi32, #tpu.memory_space<hbm>>
      %dma_wait3A_44 = tpu.memref_squeeze %dma_wait3A_43 : memref<1x128xi32, #tpu.memory_space<hbm>> -> memref<128xi32, #tpu.memory_space<hbm>>
      tpu.wait_dma2 semaphore(%run_scoped3A : memref<!tpu.dma_semaphore, #tpu.memory_space<semaphore_mem>>) src(%dma_wait3A_44 : memref<128xi32, #tpu.memory_space<hbm>>) dst(%arg5 : memref<128xi32, #tpu.memory_space<vmem>>)
      tpu.yield
    }) : () -> ()
    %dma_start3A = arith.constant 0 : i32
    %dma_start3A_3 = arith.constant 0 : i32
    %dma_start3A_4 = tpu.memref_slice %arg7[%dma_start3A, %dma_start3A_3] : memref<256x256xf32, #tpu.memory_space<vmem>> -> memref<128x256xf32, #tpu.memory_space<vmem>>
    %dma_start3A_5 = arith.constant 0 : i32
    %dma_start3A_6 = arith.constant 0 : i32
    %dma_start3A_7 = tpu.memref_slice %arg2[%dma_start3A_5, %dma_start3A_6] : memref<1024x256xf32, #tpu.memory_space<hbm>> -> memref<1024x256xf32, #tpu.memory_space<hbm>>
    tpu.enqueue_indirect_dma source(%dma_start3A_7 : memref<1024x256xf32, #tpu.memory_space<hbm>>) target(%dma_start3A_4 : memref<128x256xf32, #tpu.memory_space<vmem>>) offsets(%arg5 : memref<128xi32, #tpu.memory_space<vmem>>) semaphore(%arg8 : memref<!tpu.dma_semaphore, #tpu.memory_space<semaphore_mem>>)
    %add3A_8 = arith.constant 1 : i32
    %add3A_9 = arith.addi %mul3A_2, %add3A_8 : i32
    "tpu.region"() ({
      %run_scoped3A = tpu.sem_alloc : memref<!tpu.dma_semaphore, #tpu.memory_space<semaphore_mem>>
      %dma_start3A_33 = arith.constant 0 : i32
      %dma_start3A_34 = tpu.memref_slice %arg3[%add3A_9, %dma_start3A_33] : memref<64x128xi32, #tpu.memory_space<hbm>> -> memref<1x128xi32, #tpu.memory_space<hbm>>
      %dma_start3A_35 = tpu.memref_squeeze %dma_start3A_34 : memref<1x128xi32, #tpu.memory_space<hbm>> -> memref<128xi32, #tpu.memory_space<hbm>>
      %dma_start3A_36 = arith.constant 0 : i32
      %dma_start3A_37 = tpu.memref_slice %arg3[%add3A_9, %dma_start3A_36] : memref<64x128xi32, #tpu.memory_space<hbm>> -> memref<1x128xi32, #tpu.memory_space<hbm>>
      %dma_start3A_38 = tpu.memref_squeeze %dma_start3A_37 : memref<1x128xi32, #tpu.memory_space<hbm>> -> memref<128xi32, #tpu.memory_space<hbm>>
      tpu.enqueue_dma source(%dma_start3A_38 : memref<128xi32, #tpu.memory_space<hbm>>) target(%arg6 : memref<128xi32, #tpu.memory_space<vmem>>) target_semaphore(%run_scoped3A : memref<!tpu.dma_semaphore, #tpu.memory_space<semaphore_mem>>)
      %dma_wait3A_39 = arith.constant 0 : i32
      %dma_wait3A_40 = tpu.memref_slice %arg3[%add3A_9, %dma_wait3A_39] : memref<64x128xi32, #tpu.memory_space<hbm>> -> memref<1x128xi32, #tpu.memory_space<hbm>>
      %dma_wait3A_41 = tpu.memref_squeeze %dma_wait3A_40 : memref<1x128xi32, #tpu.memory_space<hbm>> -> memref<128xi32, #tpu.memory_space<hbm>>
      %dma_wait3A_42 = arith.constant 0 : i32
      %dma_wait3A_43 = tpu.memref_slice %arg3[%add3A_9, %dma_wait3A_42] : memref<64x128xi32, #tpu.memory_space<hbm>> -> memref<1x128xi32, #tpu.memory_space<hbm>>
      %dma_wait3A_44 = tpu.memref_squeeze %dma_wait3A_43 : memref<1x128xi32, #tpu.memory_space<hbm>> -> memref<128xi32, #tpu.memory_space<hbm>>
      tpu.wait_dma2 semaphore(%run_scoped3A : memref<!tpu.dma_semaphore, #tpu.memory_space<semaphore_mem>>) src(%dma_wait3A_44 : memref<128xi32, #tpu.memory_space<hbm>>) dst(%arg6 : memref<128xi32, #tpu.memory_space<vmem>>)
      tpu.yield
    }) : () -> ()
    %dma_start3A_10 = arith.constant 128 : i32
    %dma_start3A_11 = arith.constant 0 : i32
    %dma_start3A_12 = tpu.memref_slice %arg7[%dma_start3A_10, %dma_start3A_11] : memref<256x256xf32, #tpu.memory_space<vmem>> -> memref<128x256xf32, #tpu.memory_space<vmem>>
    %dma_start3A_13 = arith.constant 0 : i32
    %dma_start3A_14 = arith.constant 0 : i32
    %dma_start3A_15 = tpu.memref_slice %arg2[%dma_start3A_13, %dma_start3A_14] : memref<1024x256xf32, #tpu.memory_space<hbm>> -> memref<1024x256xf32, #tpu.memory_space<hbm>>
    tpu.enqueue_indirect_dma source(%dma_start3A_15 : memref<1024x256xf32, #tpu.memory_space<hbm>>) target(%dma_start3A_12 : memref<128x256xf32, #tpu.memory_space<vmem>>) offsets(%arg6 : memref<128xi32, #tpu.memory_space<vmem>>) semaphore(%arg8 : memref<!tpu.dma_semaphore, #tpu.memory_space<semaphore_mem>>)
    %dma_wait3A = arith.constant 0 : i32
    %dma_wait3A_16 = arith.constant 0 : i32
    %dma_wait3A_17 = tpu.memref_slice %arg7[%dma_wait3A, %dma_wait3A_16] : memref<256x256xf32, #tpu.memory_space<vmem>> -> memref<128x256xf32, #tpu.memory_space<vmem>>
    %dma_wait3A_18 = arith.constant 0 : i32
    %dma_wait3A_19 = arith.constant 0 : i32
    %dma_wait3A_20 = tpu.memref_slice %arg2[%dma_wait3A_18, %dma_wait3A_19] : memref<1024x256xf32, #tpu.memory_space<hbm>> -> memref<1024x256xf32, #tpu.memory_space<hbm>>
    tpu.wait_indirect_dma semaphore(%arg8 : memref<!tpu.dma_semaphore, #tpu.memory_space<semaphore_mem>>) src(%dma_wait3A_20 : memref<1024x256xf32, #tpu.memory_space<hbm>>) dst(%dma_wait3A_17 : memref<128x256xf32, #tpu.memory_space<vmem>>)
    %mul3A_21 = arith.constant 256 : i32
    %mul3A_22 = arith.muli %add3A, %mul3A_21 : i32
    "tpu.region"() ({
      %run_scoped3A = tpu.sem_alloc : memref<!tpu.dma_semaphore, #tpu.memory_space<semaphore_mem>>
      %dma_start3A_33 = arith.constant 0 : i32
      %dma_start3A_34 = arith.constant 0 : i32
      %dma_start3A_35 = tpu.memref_slice %arg7[%dma_start3A_33, %dma_start3A_34] : memref<256x256xf32, #tpu.memory_space<vmem>> -> memref<128x256xf32, #tpu.memory_space<vmem>>
      %dma_start3A_36 = arith.constant 0 : i32
      %dma_start3A_37 = tpu.memref_slice %arg4[%mul3A_22, %dma_start3A_36] : memref<8192x256xf32, #tpu.memory_space<hbm>> -> memref<128x256xf32, #tpu.memory_space<hbm>>
      %dma_start3A_38 = arith.constant 0 : i32
      %dma_start3A_39 = tpu.memref_slice %arg4[%mul3A_22, %dma_start3A_38] : memref<8192x256xf32, #tpu.memory_space<hbm>> -> memref<128x256xf32, #tpu.memory_space<hbm>>
      %dma_start3A_40 = arith.constant 0 : i32
      %dma_start3A_41 = arith.constant 0 : i32
      %dma_start3A_42 = tpu.memref_slice %arg7[%dma_start3A_40, %dma_start3A_41] : memref<256x256xf32, #tpu.memory_space<vmem>> -> memref<128x256xf32, #tpu.memory_space<vmem>>
      tpu.enqueue_dma source(%dma_start3A_42 : memref<128x256xf32, #tpu.memory_space<vmem>>) target(%dma_start3A_39 : memref<128x256xf32, #tpu.memory_space<hbm>>) target_semaphore(%run_scoped3A : memref<!tpu.dma_semaphore, #tpu.memory_space<semaphore_mem>>)
      %dma_wait3A_43 = arith.constant 0 : i32
      %dma_wait3A_44 = arith.constant 0 : i32
      %dma_wait3A_45 = tpu.memref_slice %arg7[%dma_wait3A_43, %dma_wait3A_44] : memref<256x256xf32, #tpu.memory_space<vmem>> -> memref<128x256xf32, #tpu.memory_space<vmem>>
      %dma_wait3A_46 = arith.constant 0 : i32
      %dma_wait3A_47 = tpu.memref_slice %arg4[%mul3A_22, %dma_wait3A_46] : memref<8192x256xf32, #tpu.memory_space<hbm>> -> memref<128x256xf32, #tpu.memory_space<hbm>>
      %dma_wait3A_48 = arith.constant 0 : i32
      %dma_wait3A_49 = tpu.memref_slice %arg4[%mul3A_22, %dma_wait3A_48] : memref<8192x256xf32, #tpu.memory_space<hbm>> -> memref<128x256xf32, #tpu.memory_space<hbm>>
      %dma_wait3A_50 = arith.constant 0 : i32
      %dma_wait3A_51 = arith.constant 0 : i32
      %dma_wait3A_52 = tpu.memref_slice %arg7[%dma_wait3A_50, %dma_wait3A_51] : memref<256x256xf32, #tpu.memory_space<vmem>> -> memref<128x256xf32, #tpu.memory_space<vmem>>
      tpu.wait_dma2 semaphore(%run_scoped3A : memref<!tpu.dma_semaphore, #tpu.memory_space<semaphore_mem>>) src(%dma_wait3A_52 : memref<128x256xf32, #tpu.memory_space<vmem>>) dst(%dma_wait3A_49 : memref<128x256xf32, #tpu.memory_space<hbm>>)
      tpu.yield
    }) : () -> ()
    %dma_wait3A_23 = arith.constant 128 : i32
    %dma_wait3A_24 = arith.constant 0 : i32
    %dma_wait3A_25 = tpu.memref_slice %arg7[%dma_wait3A_23, %dma_wait3A_24] : memref<256x256xf32, #tpu.memory_space<vmem>> -> memref<128x256xf32, #tpu.memory_space<vmem>>
    %dma_wait3A_26 = arith.constant 0 : i32
    %dma_wait3A_27 = arith.constant 0 : i32
    %dma_wait3A_28 = tpu.memref_slice %arg2[%dma_wait3A_26, %dma_wait3A_27] : memref<1024x256xf32, #tpu.memory_space<hbm>> -> memref<1024x256xf32, #tpu.memory_space<hbm>>
    tpu.wait_indirect_dma semaphore(%arg8 : memref<!tpu.dma_semaphore, #tpu.memory_space<semaphore_mem>>) src(%dma_wait3A_28 : memref<1024x256xf32, #tpu.memory_space<hbm>>) dst(%dma_wait3A_25 : memref<128x256xf32, #tpu.memory_space<vmem>>)
    %mul3A_29 = arith.constant 256 : i32
    %mul3A_30 = arith.muli %add3A, %mul3A_29 : i32
    %add3A_31 = arith.constant 128 : i32
    %add3A_32 = arith.addi %mul3A_30, %add3A_31 : i32
    "tpu.region"() ({
      %run_scoped3A = tpu.sem_alloc : memref<!tpu.dma_semaphore, #tpu.memory_space<semaphore_mem>>
      %dma_start3A_33 = arith.constant 128 : i32
      %dma_start3A_34 = arith.constant 0 : i32
      %dma_start3A_35 = tpu.memref_slice %arg7[%dma_start3A_33, %dma_start3A_34] : memref<256x256xf32, #tpu.memory_space<vmem>> -> memref<128x256xf32, #tpu.memory_space<vmem>>
      %dma_start3A_36 = arith.constant 0 : i32
      %dma_start3A_37 = tpu.memref_slice %arg4[%add3A_32, %dma_start3A_36] : memref<8192x256xf32, #tpu.memory_space<hbm>> -> memref<128x256xf32, #tpu.memory_space<hbm>>
      %dma_start3A_38 = arith.constant 0 : i32
      %dma_start3A_39 = tpu.memref_slice %arg4[%add3A_32, %dma_start3A_38] : memref<8192x256xf32, #tpu.memory_space<hbm>> -> memref<128x256xf32, #tpu.memory_space<hbm>>
      %dma_start3A_40 = arith.constant 128 : i32
      %dma_start3A_41 = arith.constant 0 : i32
      %dma_start3A_42 = tpu.memref_slice %arg7[%dma_start3A_40, %dma_start3A_41] : memref<256x256xf32, #tpu.memory_space<vmem>> -> memref<128x256xf32, #tpu.memory_space<vmem>>
      tpu.enqueue_dma source(%dma_start3A_42 : memref<128x256xf32, #tpu.memory_space<vmem>>) target(%dma_start3A_39 : memref<128x256xf32, #tpu.memory_space<hbm>>) target_semaphore(%run_scoped3A : memref<!tpu.dma_semaphore, #tpu.memory_space<semaphore_mem>>)
      %dma_wait3A_43 = arith.constant 128 : i32
      %dma_wait3A_44 = arith.constant 0 : i32
      %dma_wait3A_45 = tpu.memref_slice %arg7[%dma_wait3A_43, %dma_wait3A_44] : memref<256x256xf32, #tpu.memory_space<vmem>> -> memref<128x256xf32, #tpu.memory_space<vmem>>
      %dma_wait3A_46 = arith.constant 0 : i32
      %dma_wait3A_47 = tpu.memref_slice %arg4[%add3A_32, %dma_wait3A_46] : memref<8192x256xf32, #tpu.memory_space<hbm>> -> memref<128x256xf32, #tpu.memory_space<hbm>>
      %dma_wait3A_48 = arith.constant 0 : i32
      %dma_wait3A_49 = tpu.memref_slice %arg4[%add3A_32, %dma_wait3A_48] : memref<8192x256xf32, #tpu.memory_space<hbm>> -> memref<128x256xf32, #tpu.memory_space<hbm>>
      %dma_wait3A_50 = arith.constant 128 : i32
      %dma_wait3A_51 = arith.constant 0 : i32
      %dma_wait3A_52 = tpu.memref_slice %arg7[%dma_wait3A_50, %dma_wait3A_51] : memref<256x256xf32, #tpu.memory_space<vmem>> -> memref<128x256xf32, #tpu.memory_space<vmem>>
      tpu.wait_dma2 semaphore(%run_scoped3A : memref<!tpu.dma_semaphore, #tpu.memory_space<semaphore_mem>>) src(%dma_wait3A_52 : memref<128x256xf32, #tpu.memory_space<vmem>>) dst(%dma_wait3A_49 : memref<128x256xf32, #tpu.memory_space<hbm>>)
      tpu.yield
    }) : () -> ()
    return
  }
}

module attributes {stable_mosaic.version = 14 : i64} {
  func.func @_vq_body(%arg0: i32, %arg1: memref<2048x256xf32, #tpu.memory_space<vmem>>, %arg2: memref<1024x256xf32, #tpu.memory_space<vmem>>, %arg3: memref<16x128xi32, #tpu.memory_space<vmem>>, %arg4: memref<1x1xf32, #tpu.memory_space<vmem>>, %arg5: memref<1x1024xf32, #tpu.memory_space<vmem>>, %arg6: memref<2048x1024xf32, #tpu.memory_space<vmem>>) attributes {dimension_semantics = [#tpu.dimension_semantics<arbitrary>], iteration_bounds = array<i64: 4>, scalar_prefetch = 0 : i64, scratch_operands = 2 : i64, tpu.core_type = #tpu.core_type<tc>, window_params = [{transform_indices = @transform_0, window_bounds = array<i64: 2048, 256>}, {pipeline_mode = #tpu.pipeline_mode<synchronous>, transform_indices = @transform_1, window_bounds = array<i64: 1024, 256>}, {transform_indices = @transform_2, window_bounds = array<i64: 16, 128>}, {pipeline_mode = #tpu.pipeline_mode<synchronous>, transform_indices = @transform_3, window_bounds = array<i64: 1, 1>}]} {
    %get3A = arith.constant 0 : index
    %get3A_0 = arith.constant 0 : index
    %get3A_1 = vector.load %arg2[%get3A, %get3A_0] : memref<1024x256xf32, #tpu.memory_space<vmem>>, vector<1024x256xf32>
    %eq3A = arith.constant 0 : i32
    %eq3A_2 = arith.cmpi eq, %arg0, %eq3A : i32
    %convert_element_type3A = arith.extui %eq3A_2 : i1 to i32
    %cond3A = arith.constant 0 : i32
    %cond3A_3 = arith.cmpi ne, %convert_element_type3A, %cond3A : i32
    scf.if %cond3A_3 {
      %mul3A_49 = arith.mulf %get3A_1, %get3A_1 : vector<1024x256xf32>
      %reduce_sum3A_50 = arith.constant dense<0.000000e+00> : vector<1024xf32>
      %reduce_sum3A_51 = vector.multi_reduction <add>, %mul3A_49, %reduce_sum3A_50 [1] : vector<1024x256xf32> to vector<1024xf32>
      %broadcast_in_dim3A_52 = vector.shape_cast %reduce_sum3A_51 : vector<1024xf32> to vector<1024x1xf32>
      %transpose3A = tpu.transpose %broadcast_in_dim3A_52, [1, 0] : vector<1024x1xf32> -> vector<1x1024xf32>
      %swap3A_53 = arith.constant 0 : index
      %swap3A_54 = arith.constant 0 : index
      %swap3A_55 = vector.load %arg5[%swap3A_53, %swap3A_54] : memref<1x1024xf32, #tpu.memory_space<vmem>>, vector<1x1024xf32>
      tpu.vector_store %arg5[%swap3A_53, %swap3A_54], %transpose3A {strides = array<i32>} : memref<1x1024xf32, #tpu.memory_space<vmem>>, vector<1x1024xf32>,
      %iota3A = tpu.iota {dimensions = array<i32: 1>} : vector<2048x1024xi32>
      %convert_element_type3A_56 = arith.sitofp %iota3A : vector<2048x1024xi32> to vector<2048x1024xf32>
      %swap3A_57 = arith.constant 0 : index
      %swap3A_58 = arith.constant 0 : index
      %swap3A_59 = vector.load %arg6[%swap3A_57, %swap3A_58] : memref<2048x1024xf32, #tpu.memory_space<vmem>>, vector<2048x1024xf32>
      tpu.vector_store %arg6[%swap3A_57, %swap3A_58], %convert_element_type3A_56 {strides = array<i32>} : memref<2048x1024xf32, #tpu.memory_space<vmem>>, vector<2048x1024xf32>,
      %broadcast_in_dim3A_60 = arith.constant 0.000000e+00 : f32
      %broadcast_in_dim3A_61 = vector.broadcast %broadcast_in_dim3A_60 : f32 to vector<1x1xf32>
      %swap3A_62 = arith.constant 0 : index
      %swap3A_63 = arith.constant 0 : index
      %swap3A_64 = vector.load %arg4[%swap3A_62, %swap3A_63] : memref<1x1xf32, #tpu.memory_space<vmem>>, vector<1x1xf32>
      tpu.vector_store %arg4[%swap3A_62, %swap3A_63], %broadcast_in_dim3A_61 {strides = array<i32>} : memref<1x1xf32, #tpu.memory_space<vmem>>, vector<1x1xf32>,
    } else {
    }
    %get3A_4 = arith.constant 0 : index
    %get3A_5 = arith.constant 0 : index
    %get3A_6 = vector.load %arg1[%get3A_4, %get3A_5] : memref<2048x256xf32, #tpu.memory_space<vmem>>, vector<2048x256xf32>
    %add3A = arith.addf %get3A_6, %get3A_6 : vector<2048x256xf32>
    %dot_general3A = arith.constant dense<0.000000e+00> : vector<2048x1024xf32>
    %dot_general3A_7 = tpu.matmul %add3A, %get3A_1, %dot_general3A {dimension_numbers = #tpu.dot_dimension_numbers<[1], [1], [0], [0], [0, 0, 1, 0], [], []>, transpose_lhs_hint = false} : vector<2048x256xf32>, vector<1024x256xf32>, vector<2048x1024xf32> -> vector<2048x1024xf32>
    %mul3A = arith.mulf %get3A_6, %get3A_6 : vector<2048x256xf32>
    %reduce_sum3A = arith.constant dense<0.000000e+00> : vector<2048xf32>
    %reduce_sum3A_8 = vector.multi_reduction <add>, %mul3A, %reduce_sum3A [1] : vector<2048x256xf32> to vector<2048xf32>
    %broadcast_in_dim3A = vector.shape_cast %reduce_sum3A_8 : vector<2048xf32> to vector<2048x1xf32>
    %get3A_9 = arith.constant 0 : index
    %get3A_10 = arith.constant 0 : index
    %get3A_11 = vector.load %arg5[%get3A_9, %get3A_10] : memref<1x1024xf32, #tpu.memory_space<vmem>>, vector<1x1024xf32>
    %add3A_12 = vector.broadcast %broadcast_in_dim3A : vector<2048x1xf32> to vector<2048x1024xf32>
    %add3A_13 = vector.broadcast %get3A_11 : vector<1x1024xf32> to vector<2048x1024xf32>
    %add3A_14 = arith.addf %add3A_12, %add3A_13 : vector<2048x1024xf32>
    %sub3A = arith.subf %add3A_14, %dot_general3A_7 : vector<2048x1024xf32>
    %max3A = arith.constant 0.000000e+00 : f32
    %max3A_15 = vector.broadcast %max3A : f32 to vector<2048x1024xf32>
    %max3A_16 = arith.maximumf %sub3A, %max3A_15 : vector<2048x1024xf32>
    %sqrt3A = math.sqrt %max3A_16 : vector<2048x1024xf32>
    %reduce_min3A = arith.constant dense<0x7F800000> : vector<2048xf32>
    %reduce_min3A_17 = vector.multi_reduction <minimumf>, %sqrt3A, %reduce_min3A [1] : vector<2048x1024xf32> to vector<2048xf32>
    %broadcast_in_dim3A_18 = vector.shape_cast %reduce_min3A_17 : vector<2048xf32> to vector<2048x1xf32>
    %eq3A_19 = vector.broadcast %broadcast_in_dim3A_18 : vector<2048x1xf32> to vector<2048x1024xf32>
    %eq3A_20 = arith.cmpf oeq, %sqrt3A, %eq3A_19 : vector<2048x1024xf32>
    %get3A_21 = arith.constant 0 : index
    %get3A_22 = arith.constant 0 : index
    %get3A_23 = vector.load %arg6[%get3A_21, %get3A_22] : memref<2048x1024xf32, #tpu.memory_space<vmem>>, vector<2048x1024xf32>
    %jit3A = arith.constant 1.024000e+03 : f32
    %broadcast_in_dim3A_24 = vector.broadcast %jit3A : f32 to vector<2048x1024xf32>
    %select_n3A = arith.select %eq3A_20, %get3A_23, %broadcast_in_dim3A_24 : vector<2048x1024xi1>, vector<2048x1024xf32>
    %reduce_min3A_25 = arith.constant dense<0x7F800000> : vector<2048xf32>
    %reduce_min3A_26 = vector.multi_reduction <minimumf>, %select_n3A, %reduce_min3A_25 [1] : vector<2048x1024xf32> to vector<2048xf32>
    %convert_element_type3A_27 = arith.fptosi %reduce_min3A_26 : vector<2048xf32> to vector<2048xi32>
    %reshape3A = vector.shape_cast %convert_element_type3A_27 : vector<2048xi32> to vector<16x128xi32>
    %swap3A = arith.constant 0 : index
    %swap3A_28 = arith.constant 0 : index
    %swap3A_29 = vector.load %arg3[%swap3A, %swap3A_28] : memref<16x128xi32, #tpu.memory_space<vmem>>, vector<16x128xi32>
    tpu.vector_store %arg3[%swap3A, %swap3A_28], %reshape3A {strides = array<i32>} : memref<16x128xi32, #tpu.memory_space<vmem>>, vector<16x128xi32>,
    %get3A_30 = arith.constant 0 : index
    %get3A_31 = arith.constant 0 : index
    %get3A_32 = vector.load %arg4[%get3A_30, %get3A_31] : memref<1x1xf32, #tpu.memory_space<vmem>>, vector<1x1xf32>
    %mul3A_33 = arith.mulf %broadcast_in_dim3A_18, %broadcast_in_dim3A_18 : vector<2048x1xf32>
    %reduce_sum3A_34 = vector.shape_cast %mul3A_33 : vector<2048x1xf32> to vector<1x2048x1xf32>
    %reduce_sum3A_35 = arith.constant dense<0.000000e+00> : vector<1xf32>
    %reduce_sum3A_36 = vector.multi_reduction <add>, %reduce_sum3A_34, %reduce_sum3A_35 [1, 2] : vector<1x2048x1xf32> to vector<1xf32>
    %reduce_sum3A_37 = vector.shape_cast %reduce_sum3A_36 : vector<1xf32> to vector<1x1x1xf32>
    %reduce_sum3A_38 = vector.extract %reduce_sum3A_37[0, 0, 0] : f32 from vector<1x1x1xf32>
    %reshape3A_39 = vector.broadcast %reduce_sum3A_38 : f32 to vector<1x1xf32>
    %add3A_40 = arith.addf %get3A_32, %reshape3A_39 : vector<1x1xf32>
    %swap3A_41 = arith.constant 0 : index
    %swap3A_42 = arith.constant 0 : index
    %swap3A_43 = vector.load %arg4[%swap3A_41, %swap3A_42] : memref<1x1xf32, #tpu.memory_space<vmem>>, vector<1x1xf32>
    tpu.vector_store %arg4[%swap3A_41, %swap3A_42], %add3A_40 {strides = array<i32>} : memref<1x1xf32, #tpu.memory_space<vmem>>, vector<1x1xf32>,
    %eq3A_44 = arith.constant 3 : i32
    %eq3A_45 = arith.cmpi eq, %arg0, %eq3A_44 : i32
    %convert_element_type3A_46 = arith.extui %eq3A_45 : i1 to i32
    %cond3A_47 = arith.constant 0 : i32
    %cond3A_48 = arith.cmpi ne, %convert_element_type3A_46, %cond3A_47 : i32
    scf.if %cond3A_48 {
      %get3A_49 = arith.constant 0 : index
      %get3A_50 = arith.constant 0 : index
      %get3A_51 = vector.load %arg4[%get3A_49, %get3A_50] : memref<1x1xf32, #tpu.memory_space<vmem>>, vector<1x1xf32>
      %div3A = arith.constant 0x4A000000 : f32
      %div3A_52 = vector.broadcast %div3A : f32 to vector<1x1xf32>
      %div3A_53 = arith.divf %get3A_51, %div3A_52 : vector<1x1xf32>
      %mul3A_54 = arith.constant 1.250000e+00 : f32
      %mul3A_55 = vector.broadcast %mul3A_54 : f32 to vector<1x1xf32>
      %mul3A_56 = arith.mulf %mul3A_55, %div3A_53 : vector<1x1xf32>
      %swap3A_57 = arith.constant 0 : index
      %swap3A_58 = arith.constant 0 : index
      %swap3A_59 = vector.load %arg4[%swap3A_57, %swap3A_58] : memref<1x1xf32, #tpu.memory_space<vmem>>, vector<1x1xf32>
      tpu.vector_store %arg4[%swap3A_57, %swap3A_58], %mul3A_56 {strides = array<i32>} : memref<1x1xf32, #tpu.memory_space<vmem>>, vector<1x1xf32>,
    } else {
    }
    return
  }
  func.func @transform_0(%arg0: i32) -> (i32, i32) {
    %c0_i32 = arith.constant 0 : i32
    %c0_i32_0 = arith.constant 0 : i32
    return %arg0, %c0_i32 : i32, i32
  }
  func.func @transform_1(%arg0: i32) -> (i32, i32) {
    %c0_i32 = arith.constant 0 : i32
    %c0_i32_0 = arith.constant 0 : i32
    %c0_i32_1 = arith.constant 0 : i32
    return %c0_i32, %c0_i32_0 : i32, i32
  }
  func.func @transform_2(%arg0: i32) -> (i32, i32) {
    %c0_i32 = arith.constant 0 : i32
    %c0_i32_0 = arith.constant 0 : i32
    return %arg0, %c0_i32 : i32, i32
  }
  func.func @transform_3(%arg0: i32) -> (i32, i32) {
    %c0_i32 = arith.constant 0 : i32
    %c0_i32_0 = arith.constant 0 : i32
    %c0_i32_1 = arith.constant 0 : i32
    return %c0_i32, %c0_i32_0 : i32, i32
  }
}

</mosaic_0001>

<sc_bundles>
// kernel: kernel.4.cloned.1.call-start
scs
__scs_entry_jumppad:
0x0: {  	(pc) =	sbr.rel $0x88, $3  }
0x1: {  	(tag) =	ssettag $0x0;
	lr =	simm.s32 $0x1  }
0x2: {  	[smem:$0x3F9F] =	sst lr;
	_ =	strace $0xD0000000  }
0x3: {  	_ = 	snop  }
0x4: {  	_ = 	snop  }
0x5: {  	_ = 	snop  }
0x6: {  	_ = 	snop  }
0x7: {  	_ = 	snop  }
__scs_overlays_trampoline_lowered:
0x8: {  	[smem:$0x3FAE] =	sst s0  }
0x9: {  	[smem:$0x3FAF] =	sst s1  }
0xa: {  	[smem:$0x3FB0] =	sst s2  }
0xb: {  	[smem:$0x3FB1] =	sst s3  }
0xc: {  	[smem:$0x3FB2] =	sst s4  }
0xd: {  	[smem:$0x3FB3] =	sst s5  }
0xe: {  	[smem:$0x3FB4] =	sst s6  }
0xf: {  	[smem:$0x3FB5] =	sst s7  }
0x10: {  	[smem:$0x3FB6] =	sst s8  }
0x11: {  	[smem:$0x3FB7] =	sst s9;
	s0 =	simm.s32 @!p0 $0x0  }
0x12: {  	s1 =	sld [smem:$0x3F9D];
	s0 =	simm.s32 @p0 $0x1  }
0x13: {  	[smem:$0x3FB8] =	sst s0;
	s0 =	simm.s32 @!p1 $0x0  }
0x14: {  	s2 =	sld [smem:$0x3F9C];
	s0 =	simm.s32 @p1 $0x1  }
0x15: {  	[smem:$0x3FB9] =	sst s0;
	s0 =	simm.s32 @!p2 $0x0  }
0x16: {  	s3 =	sld [smem:$0x3FDB];
	s0 =	simm.s32 @p2 $0x1  }
0x17: {  	s4 =	simm.s32 $0x1BF5;
	[smem:$0x3FBB] =	sst s0  }
0x18: {  	s0 =	sld [smem:$0x3F9E];
	_ =	swait.ge [sflag:s4], $0x0  }
0x19: {  	s7 =	sld [smem:$0x3F9F]  }
0x1a: {  	s8 =	sadd.s32 $0xFFFFE003, lr  }
0x1b: {  	s9 =	sadd.s32 $0xFFFFFEF7, lr;
	s5 =	simm.s32 $0xFFFFFFFF;
	p2 =	slt.u32 s8, $0xFFFFF086  }
0x1c: {  	p1 =	slt.u32 s9, $0xF7A;
	s5 =	simm.s32 @!p2 $0x0  }
0x1d: {  	s5 =	simm.s32 @p1 $0x1;
	p0 =	seq.s32 s7, s2  }
0x1e: {  	s7 =	smul.u32 @!p0 $0xF7A, s2;
	p2 =	seq.s32 @!p0 s5, $0x0  }
0x1f: {  	s9 =	smul.u32 $0xF7A, s1;
	s8 =	simm.s32 @!p0 $0x1BF5;
	p2 =	por !p2, p0  }
0x20: {  	[sflag:s8] =	ssyncset.s32 @!p0 $0xFFFFF086;
	s6 =	sadd.s32 @!p0 s3, s7;
	s7 =	simm.s32 @!p0 $0x108  }
0x21: {  	s3 =	sadd.s32 s3, s9;
	s6 =	sadd.s32 @!p0 $0x88, s6;
	s7 =	simm.s32 @p2 $0x1082  }
0x22: {  	[simem:s7], [sflag:s8] =	dma.local @!p0 [hbm:s6], $0xF7A  }
0x23: {  	s9 =	sor.u32 $0xD0000000, s2;
	s6 =	simm.s32 $0x108;
	_ =	swait.ge @!p0 [sflag:s8], $0x0  }
0x24: {  	s3 =	sadd.s32 $0x88, s3;
	s6 =	simm.s32 @!p1 $0x1082;
	[sflag:s4] =	ssyncset.s32 $0xFFFFF086  }
0x25: {  	[simem:s6], [sflag:s4] =	dma.local [hbm:s3], $0xF7A  }
0x26: {  	[smem:$0x3F9F] =	sst s1;
	(tag) =	ssettag s2;
	_ =	strace s9  }
0x27: {  	s1 =	sld [smem:$0x3FAF]  }
0x28: {  	s2 =	sld [smem:$0x3FB0]  }
0x29: {  	s4 =	sld [smem:$0x3FB2]  }
0x2a: {  	p0 =	seq.s32 s5, $0x0;
	s5 =	sld [smem:$0x3FB3]  }
0x2b: {  	s6 =	sld [smem:$0x3FB4]  }
0x2c: {  	s7 =	sld [smem:$0x3FB5]  }
0x2d: {  	s3 =	simm.s32 $0x108;
	s8 =	sld [smem:$0x3FB6]  }
0x2e: {  	s3 =	simm.s32 @!p0 $0x1082;
	s9 =	sld [smem:$0x3FB7]  }
0x2f: {  	lr =	sadd.s32 s0, s3;
	s0 =	sld [smem:$0x3FAE]  }
0x30: {  	s3 =	sld [smem:$0x3FB1]  }
0x31: {  	[smem:$0x3FBA] =	sst s10  }
0x32: {  	s10 =	sld [smem:$0x3FB8];
	_ =	sdelay $0x3  }
0x33: {  	p0 =	seq.s32 s10, $0x1;
	s10 =	sld [smem:$0x3FBA];
	_ =	sdelay $0x3  }
0x34: {  	[smem:$0x3FBA] =	sst s10  }
0x35: {  	s10 =	sld [smem:$0x3FB9];
	_ =	sdelay $0x3  }
0x36: {  	p1 =	seq.s32 s10, $0x1;
	s10 =	sld [smem:$0x3FBA];
	_ =	sdelay $0x3  }
0x37: {  	[smem:$0x3FBA] =	sst s10  }
0x38: {  	s10 =	sld [smem:$0x3FBB]  }
0x39: {  	_ = 	snop;
	(pc) =	sbr.ind lr, $3  }
0x3a: {  	_ = 	snop  }
0x3b: {  	_ = 	snop  }
0x3c: {  	p2 =	seq.s32 s10, $0x1;
	s10 =	sld [smem:$0x3FBA]  }
0x3d: {  	_ =	shalt  }
0x3e: {  	_ =	shalt  }
0x3f: {  	_ =	shalt  }
0x40: {  	_ =	shalt  }
0x41: {  	_ =	shalt  }
0x42: {  	_ =	shalt  }
0x43: {  	_ =	shalt  }
0x44: {  	_ =	shalt  }
0x45: {  	_ =	shalt  }
0x46: {  	_ =	shalt  }
0x47: {  	_ =	shalt  }
0x48: {  	_ =	shalt  }
0x49: {  	_ =	shalt  }
0x4a: {  	_ =	shalt  }
0x4b: {  	_ =	shalt  }
0x4c: {  	_ =	shalt  }
0x4d: {  	_ =	shalt  }
0x4e: {  	_ =	shalt  }
0x4f: {  	_ =	shalt  }
0x50: {  	_ =	shalt  }
0x51: {  	_ =	shalt  }
0x52: {  	_ =	shalt  }
0x53: {  	_ =	shalt  }
0x54: {  	_ =	shalt  }
0x55: {  	_ =	shalt  }
0x56: {  	_ =	shalt  }
0x57: {  	_ =	shalt  }
0x58: {  	_ =	shalt  }
0x59: {  	_ =	shalt  }
0x5a: {  	_ =	shalt  }
0x5b: {  	_ =	shalt  }
0x5c: {  	_ =	shalt  }
0x5d: {  	_ =	shalt  }
0x5e: {  	_ =	shalt  }
0x5f: {  	_ =	shalt  }
0x60: {  	_ =	shalt  }
0x61: {  	_ =	shalt  }
0x62: {  	_ =	shalt  }
0x63: {  	_ =	shalt  }
0x64: {  	_ =	shalt  }
0x65: {  	_ =	shalt  }
0x66: {  	_ =	shalt  }
0x67: {  	_ =	shalt  }
0x68: {  	_ =	shalt  }
0x69: {  	_ =	shalt  }
0x6a: {  	_ =	shalt  }
0x6b: {  	_ =	shalt  }
0x6c: {  	_ =	shalt  }
0x6d: {  	_ =	shalt  }
0x6e: {  	_ =	shalt  }
0x6f: {  	_ =	shalt  }
0x70: {  	_ =	shalt  }
0x71: {  	_ =	shalt  }
0x72: {  	_ =	shalt  }
0x73: {  	_ =	shalt  }
0x74: {  	_ =	shalt  }
0x75: {  	_ =	shalt  }
0x76: {  	_ =	shalt  }
0x77: {  	_ =	shalt  }
0x78: {  	_ =	shalt  }
0x79: {  	_ =	shalt  }
0x7a: {  	_ =	shalt  }
0x7b: {  	_ =	shalt  }
0x7c: {  	_ =	shalt  }
0x7d: {  	_ =	shalt  }
0x7e: {  	_ =	shalt  }
0x7f: {  	_ =	shalt  }
0x80: {  	_ =	shalt  }
0x81: {  	_ =	shalt  }
0x82: {  	_ =	shalt  }
0x83: {  	_ =	shalt  }
0x84: {  	_ =	shalt  }
0x85: {  	_ =	shalt  }
0x86: {  	_ =	shalt  }
0x87: {  	_ =	shalt  }
.Lfunc_end0:
.L_simem_size_0:
called_computation_lowered:
.L_overlay_start_0:
0x88: {  	s2 =	sld [smem:$0x3FD9]  }
0x89: {  	s3 =	sld [smem:$0x3FFE];
	_ =	sdelay $0x1  }
0x8a: {  	s1 =	srdreg.scid  }
0x8b: {  	s0 =	sand.u32 $0x1, s1  }
0x8c: {  	s14 =	sshll.u32 s0, $0xA;
	s2 =	sadd.s32 s3, s2  }
0x8d: {  	s2 =	sadd.s32 s2, s14  }
0x8e: {  	[smem:$0x3FC6] =	sst s2  }
0x8f: {  	_ = 	snop  }
0x90: {  	s2 =	sld [smem:$0x3FD0];
	_ =	sdelay $0x2  }
0x91: {  	s4 =	simm.s32 $0xA;
	s5 =	simm.s32 $0x10;
	s15 =	sld [smem:$0x3FC8]  }
0x92: {  	[smem:s5], [sflag:s4] =	dma.local [hbm:s2], $0x1  }
0x93: {  	_ =	swait.eq [sflag:s4], $0x1  }
0x94: {  	[sflag:s4] =	ssyncset.done $0x0  }
0x95: {  	[sflag:s4] =	ssyncadd.s32 $0xFFFFFFFF  }
0x96: {  	s16 =	sld [smem:$0x10];
	(tm) =	ssettm $0x1  }
0x97: {  	s17 =	sld [smem:$0x3FFB];
	_ =	sdelay $0x3  }
0x98: {  	_ =	strace s17  }
0x99: {  	s4 =	sld [smem:$0x3FFC];
	_ =	sdelay $0x3  }
0x9a: {  	_ =	strace s4  }
0x9b: {  	s4 =	sld [smem:$0x3FFD];
	_ =	sdelay $0x3  }
0x9c: {  	_ =	strace s4  }
0x9d: {  	_ =	strace $0x8FFFFFFF  }
0x9e: {  	s18 =	sld [smem:$0x3FDB];
	_ =	sdelay $0x1  }
0x9f: {  	s19 =	simm.s32 $_scs_section_size  }
0xa0: {  	s6 =	simm.s32 $_size__tile_overlayer_lowered;
	s7 =	simm.s32 $_tile_overlayer_lowered  }
0xa1: {  	s22 =	simm.s32 $0x1BFF;
	s21 =	sshll.u32 s7, $0x1;
	s4 =	sadd.s32 s19, s18  }
0xa2: {  	s8 =	simm.s32 $0x0;
	s20 =	sshll.u32 s6, $0x1;
	s6 =	sadd.s32 s21, s4  }
0xa3: {  	[timem:s8], [sflag:s22] =	dma.local [hbm:s6], s20  }
0xa4: {  	_ =	swait.ge [sflag:s22], s20  }
0xa5: {  	s5 =	ssub.s32 $0x0, s20;
	[sflag:s22] =	ssyncset.done $0x0  }
0xa6: {  	[sflag:s22] =	ssyncadd.s32 s5;
	_ =	sdelay $0x1  }
0xa7: {  	s23 =	simm.s32 $0x1B8B  }
0xa8: {  	_ =	swait.ge [sflag:s23], $0x1  }
0xa9: {  	[sflag:s23] =	ssyncset.done $0x0  }
0xaa: {  	s25 =	simm.s32 $0x1B8E;
	s24 =	sld [smem:$0x3FFE];
	[sflag:s23] =	ssyncadd.s32 $0xFFFFFFFF  }
0xab: {  	s26 =	simm.s32 $execute0_lowered;
	[smem:$0x3FD2] =	sst s25  }
0xac: {  	s6 =	sshll.u32 s26, $0x1;
	_ =	strace $0x80000046;
	[dreg:$0x1] =	wrdreg $0xFFFFFFFF  }
0xad: {  	s28 =	simm.s32 $_size_execute0_lowered;
	s4 =	sadd.s32 s4, s6;
	[dreg:$0x0] =	wrdreg $0x0  }
0xae: {  	s6 =	sshll.u32 s28, $0x1;
	[dreg:$0x2] =	wrdreg s4  }
0xaf: {  	[dreg:$0x3] =	wrdreg s6  }
0xb0: {  	[dreg:$0x4] =	wrdreg $0xC0  }
0xb1: {  	_ =	task [dreg:s8], $0x5FFFF  }
0xb2: {  	[dreg:$0x1] =	wrdreg $0xFFFFFFFF  }
0xb3: {  	[dreg:$0x0] =	wrdreg $0x60  }
0xb4: {  	[dreg:$0x2] =	wrdreg s15  }
0xb5: {  	[dreg:$0x3] =	wrdreg s24  }
0xb6: {  	[dreg:$0x4] =	wrdreg s16  }
0xb7: {  	[dreg:$0x5] =	wrdreg $0x9  }
0xb8: {  	_ =	task.clear_ibuf [dreg:s8], $0x6FFFF;
	_ =	strace $0x90000046  }
0xb9: {  	s29 =	simm.s32 $0x9;
	_ =	strace $0x80000048  }
0xba: {  	_ =	swait.ge [sflag:s29], $0x1  }
0xbb: {  	[sflag:s29] =	ssyncadd.s32 $0xFFFFFFFF  }
0xbc: {  	_ =	strace $0x90000048  }
0xbd: {  	_ =	sfence  }
0xbe: {  	s30 =	sld [smem:$0x0];
	_ =	sdelay $0x2  }
0xbf: {  	s31 =	sshll.u32 s1, $0xD;
	s1 =	sshrl.u32 s1, $0x2  }
0xc0: {  	s3 =	sand.u32 $0x4000, s31;
	s1 =	sadd.s32 s1, s30  }
0xc1: {  	s0 =	sor.u32 s3, s0;
	s1 =	sshll.u32 s1, $0x11  }
0xc2: {  	s0 =	sor.u32 s1, s0  }
0xc3: {  	s0 =	sadd.s32 $0x8F2B, s0  }
0xc4: {  	[sflag:s0] =	ssyncadd.remote.s32 $0x1  }
0xc5: {  	_ =	sfence.sel $0xFFFF  }
0xc6: {  	[dreg:$0x0] =	wrdreg $0xFFFFFFFF;
	(pc) =	sbr.abs _section_cstart, $3  }
0xc7: {  	[dreg:$0x1] =	wrdreg $0xFFFFFFFF  }
0xc8: {  	_ =	task.clear_ibuf [dreg:s8], $0x2FFFF;
	_ =	strace $0x9FFFFFFF  }
0xc9: {  	(tm) =	ssettm $0x7FFFFFFF  }
tec
execute0_lowered:
.L_overlay_start_1:
0x0: {  	(tag) =	ssettag $0x1  }
0x1: {  	s1 =	rddreg [dreg:$0x0]  }
0x2: {  	s2 =	srdreg.scid;
	s4 =	rddreg [dreg:$0x1]  }
0x3: {  	s0 =	stileid.u32;
	s5 =	rddreg [dreg:$0x2]  }
0x4: {  	s17 =	simm.s32 $0x900;
	s18 =	simm.s32 $0x1100;
	s19 =	simm.s32 $0x1900  }
0x5: {  	s20 =	simm.s32 $0x2100;
	s21 =	simm.s32 $0x2900;
	s22 =	simm.s32 $0x3100  }
0x6: {  	s24 =	simm.s32 $0x3900;
	s2 =	sand.u32 $0x1, s2;
	s3 =	sshll.u32 s0, $0x1  }
0x7: {  	s25 =	simm.s32 $0x4100;
	s6 =	sor.u32 s2, s3;
	s3 =	simm.s32 $0x0  }
0x8: {  	s26 =	simm.s32 $0x4900;
	s9 =	simm.s32 $0x5900;
	[smem:$0x7FF] =	sst s3  }
0x9: {  	s10 =	simm.s32 $0x6100;
	_ =	strace $0x80000047;
	[dreg:$0x7] =	wrdreg s17  }
0xa: {  	s11 =	simm.s32 $0x6900;
	s12 =	simm.s32 $0x7100;
	[dreg:$0x8] =	wrdreg s18  }
0xb: {  	s13 =	simm.s32 $0x7900;
	s14 =	simm.s32 $0x80;
	[dreg:$0x9] =	wrdreg s19  }
0xc: {  	s15 =	simm.s32 $0x8100;
	s28 =	simm.s32 $0xE100;
	[dreg:$0xa] =	wrdreg s20  }
0xd: {  	s29 =	simm.s32 $0xE900;
	s30 =	simm.s32 $0xF100;
	[dreg:$0xb] =	wrdreg s21  }
0xe: {  	s31 =	simm.s32 $0xF900;
	s2 =	ssub.s32 $0x2, s2;
	[dreg:$0xc] =	wrdreg s22  }
0xf: {  	s7 =	sshll.u32 s6, $0x5;
	s6 =	sshll.u32 s6, $0xD;
	[dreg:$0xd] =	wrdreg s24  }
0x10: {  	s23 =	sshrl.u32 s2, $0x1;
	s4 =	sadd.s32 s7, s4;
	[dreg:$0xe] =	wrdreg s25  }
0x11: {  	s2 =	ssub.s32 s2, s23;
	[dreg:$0xf] =	wrdreg s26;
	s17 =	simm.s32 $0x9100  }
0x12: {  	s18 =	simm.s32 $0x9900;
	s19 =	simm.s32 $0xA100;
	s20 =	simm.s32 $0xA900  }
0x13: {  	s21 =	simm.s32 $0xB100;
	s22 =	simm.s32 $0xB900;
	s23 =	simm.s32 $0xC100  }
0x14: {  	s24 =	simm.s32 $0xC900;
	s25 =	simm.s32 $0xD100;
	s7 =	sadd.s32 $0xE00, s4  }
0x15: {  	s26 =	simm.s32 $0xD900;
	s16 =	sadd.s32 $0xE10, s4;
	[dreg:$0x4] =	wrdreg s7  }
0x16: {  	v2 =	vlaneseq.u32;
	s4 =	sadd.s32 s5, s6;
	s6 =	simm.s32 $0x2;
	[dreg:$0x5] =	wrdreg s16  }
0x17: {  	vm0 =	vmmov $0xffff;
	v1 =	vshrl.u32 v2, $0x3;
	s5 =	sadd.s32 $0x1000, s4;
	s7 =	simm.s32 $0x100;
	s16 =	simm.s32 $0x8900  }
0x18: {  	v0 =	vand.u32 $0x7, v2;
	v2 =	vor.u32 $0x8, v2;
	v1 =	vmul.u32 $0x8, v1;
	[dreg:$0x6] =	wrdreg s5;
	s5 =	smax.u32 s2, $0x1;
	s2 =	simm.s32 $0x1  }
.LBB2_1:
0x19: {  	s0 =	rddreg [dreg:$0x4]  }
0x1a: {  	[tilespmem:s3], [sflag:$0x2] =	stream.linear.gather [hbm4b:s0+s3], $0x80, $0x38;
	[tilespmem:$0x10100] =	vst v63  }
0x1b: {  	_ =	swait.ge [sflag:s6], $0x80  }
0x1c: {  	[sflag:s6] =	ssyncset.done $0x0  }
0x1d: {  	[sflag:s6] =	ssyncadd.s32 $0xFFFFFF80  }
0x1e: {  	v3 =	vld [tilespmem:$0x0];
	_ =	sdelay $0x4  }
0x1f: {  	v4 =	vshll.u32 v3, $0x1  }
0x20: {  	v3 =	vand.u32 $0x7, v3;
	v4 =	vand.u32 $0xFFFFFFF0, v4  }
0x21: {  	v3 =	vor.u32 v3, v4  }
0x22: {  	v4 =	vperm.xlane v3, v0;
	_ =	sdelay $0x1  }
0x23: {  	v3 =	vperm.xlane v3, v2;
	v4 =	vadd.s32 v1, v4;
	_ =	sdelay $0x1  }
0x24: {  	v3 =	vadd.s32 v1, v3;
	_ =	sdelay $0x2  }
0x25: {  	[tilespmem:s7], [sflag:$0x1] =	stream.indirect_vreg.gather [hbm4b:s1+s3], $0x80, v4, vm0, $0xb8;
	[tilespmem:$0x10100] =	vst v63  }
0x26: {  	s8 =	rddreg [dreg:$0x7]  }
0x27: {  	[tilespmem:s8], [sflag:$0x1] =	stream.indirect_vreg.gather [hbm4b:s1+s3], $0x80, v3, vm0, $0xb8;
	[tilespmem:$0x10100] =	vst v63  }
0x28: {  	v3 =	vld [tilespmem:$0x10];
	_ =	sdelay $0x4  }
0x29: {  	v49 =	vshll.u32 v3, $0x1  }
0x2a: {  	v3 =	vand.u32 $0x7, v3;
	v4 =	vand.u32 $0xFFFFFFF0, v49  }
0x2b: {  	v3 =	vor.u32 v3, v4  }
0x2c: {  	v4 =	vperm.xlane v3, v0;
	_ =	sdelay $0x1  }
0x2d: {  	v3 =	vperm.xlane v3, v2;
	v4 =	vadd.s32 v1, v4;
	_ =	sdelay $0x1  }
0x2e: {  	v3 =	vadd.s32 v1, v3;
	_ =	sdelay $0x1  }
0x2f: {  	s0 =	rddreg [dreg:$0x8]  }
0x30: {  	[tilespmem:s0], [sflag:$0x1] =	stream.indirect_vreg.gather [hbm4b:s1+s3], $0x80, v4, vm0, $0xb8;
	[tilespmem:$0x10100] =	vst v63  }
0x31: {  	s8 =	rddreg [dreg:$0x9]  }
0x32: {  	[tilespmem:s8], [sflag:$0x1] =	stream.indirect_vreg.gather [hbm4b:s1+s3], $0x80, v3, vm0, $0xb8;
	[tilespmem:$0x10100] =	vst v63  }
0x33: {  	v3 =	vld [tilespmem:$0x20];
	_ =	sdelay $0x4  }
0x34: {  	v50 =	vshll.u32 v3, $0x1  }
0x35: {  	v3 =	vand.u32 $0x7, v3;
	v4 =	vand.u32 $0xFFFFFFF0, v50  }
0x36: {  	v3 =	vor.u32 v3, v4  }
0x37: {  	v4 =	vperm.xlane v3, v0;
	_ =	sdelay $0x1  }
0x38: {  	v3 =	vperm.xlane v3, v2;
	v4 =	vadd.s32 v1, v4;
	_ =	sdelay $0x1  }
0x39: {  	v3 =	vadd.s32 v1, v3;
	_ =	sdelay $0x1  }
0x3a: {  	s0 =	rddreg [dreg:$0xa]  }
0x3b: {  	[tilespmem:s0], [sflag:$0x1] =	stream.indirect_vreg.gather [hbm4b:s1+s3], $0x80, v4, vm0, $0xb8;
	[tilespmem:$0x10100] =	vst v63  }
0x3c: {  	s8 =	rddreg [dreg:$0xb]  }
0x3d: {  	[tilespmem:s8], [sflag:$0x1] =	stream.indirect_vreg.gather [hbm4b:s1+s3], $0x80, v3, vm0, $0xb8;
	[tilespmem:$0x10100] =	vst v63  }
0x3e: {  	v3 =	vld [tilespmem:$0x30];
	_ =	sdelay $0x4  }
0x3f: {  	v51 =	vshll.u32 v3, $0x1  }
0x40: {  	v3 =	vand.u32 $0x7, v3;
	v4 =	vand.u32 $0xFFFFFFF0, v51  }
0x41: {  	v3 =	vor.u32 v3, v4  }
0x42: {  	v4 =	vperm.xlane v3, v0;
	_ =	sdelay $0x1  }
0x43: {  	v3 =	vperm.xlane v3, v2;
	v4 =	vadd.s32 v1, v4;
	_ =	sdelay $0x1  }
0x44: {  	v3 =	vadd.s32 v1, v3;
	_ =	sdelay $0x1  }
0x45: {  	s0 =	rddreg [dreg:$0xc]  }
0x46: {  	[tilespmem:s0], [sflag:$0x1] =	stream.indirect_vreg.gather [hbm4b:s1+s3], $0x80, v4, vm0, $0xb8;
	[tilespmem:$0x10100] =	vst v63  }
0x47: {  	s8 =	rddreg [dreg:$0xd]  }
0x48: {  	[tilespmem:s8], [sflag:$0x1] =	stream.indirect_vreg.gather [hbm4b:s1+s3], $0x80, v3, vm0, $0xb8;
	[tilespmem:$0x10100] =	vst v63  }
0x49: {  	v3 =	vld [tilespmem:$0x40];
	_ =	sdelay $0x4  }
0x4a: {  	v52 =	vshll.u32 v3, $0x1  }
0x4b: {  	v3 =	vand.u32 $0x7, v3;
	v4 =	vand.u32 $0xFFFFFFF0, v52  }
0x4c: {  	v3 =	vor.u32 v3, v4  }
0x4d: {  	v4 =	vperm.xlane v3, v0;
	_ =	sdelay $0x1  }
0x4e: {  	v3 =	vperm.xlane v3, v2;
	v4 =	vadd.s32 v1, v4;
	_ =	sdelay $0x1  }
0x4f: {  	v3 =	vadd.s32 v1, v3;
	_ =	sdelay $0x1  }
0x50: {  	s0 =	rddreg [dreg:$0xe]  }
0x51: {  	[tilespmem:s0], [sflag:$0x1] =	stream.indirect_vreg.gather [hbm4b:s1+s3], $0x80, v4, vm0, $0xb8;
	[tilespmem:$0x10100] =	vst v63  }
0x52: {  	s8 =	rddreg [dreg:$0xf]  }
0x53: {  	[tilespmem:s8], [sflag:$0x1] =	stream.indirect_vreg.gather [hbm4b:s1+s3], $0x80, v3, vm0, $0xb8;
	[tilespmem:$0x10100] =	vst v63  }
0x54: {  	v3 =	vld [tilespmem:$0x50];
	_ =	sdelay $0x4  }
0x55: {  	v53 =	vshll.u32 v3, $0x1  }
0x56: {  	v3 =	vand.u32 $0x7, v3;
	v4 =	vand.u32 $0xFFFFFFF0, v53  }
0x57: {  	v3 =	vor.u32 v3, v4  }
0x58: {  	v4 =	vperm.xlane v3, v0;
	_ =	sdelay $0x1  }
0x59: {  	v3 =	vperm.xlane v3, v2;
	v4 =	vadd.s32 v1, v4;
	_ =	sdelay $0x1  }
0x5a: {  	v3 =	vadd.s32 v1, v3;
	_ =	sdelay $0x1  }
0x5b: {  	s8 =	simm.s32 $0x5100  }
0x5c: {  	[tilespmem:s8], [sflag:$0x1] =	stream.indirect_vreg.gather [hbm4b:s1+s3], $0x80, v4, vm0, $0xb8;
	[tilespmem:$0x10100] =	vst v63  }
0x5d: {  	_ = 	snop  }
0x5e: {  	[tilespmem:s9], [sflag:$0x1] =	stream.indirect_vreg.gather [hbm4b:s1+s3], $0x80, v3, vm0, $0xb8;
	[tilespmem:$0x10100] =	vst v63  }
0x5f: {  	v3 =	vld [tilespmem:$0x60];
	_ =	sdelay $0x4  }
0x60: {  	v54 =	vshll.u32 v3, $0x1  }
0x61: {  	v3 =	vand.u32 $0x7, v3;
	v4 =	vand.u32 $0xFFFFFFF0, v54  }
0x62: {  	v3 =	vor.u32 v3, v4  }
0x63: {  	v4 =	vperm.xlane v3, v0;
	_ =	sdelay $0x1  }
0x64: {  	v3 =	vperm.xlane v3, v2;
	v4 =	vadd.s32 v1, v4;
	_ =	sdelay $0x1  }
0x65: {  	v3 =	vadd.s32 v1, v3;
	_ =	sdelay $0x2  }
0x66: {  	[tilespmem:s10], [sflag:$0x1] =	stream.indirect_vreg.gather [hbm4b:s1+s3], $0x80, v4, vm0, $0xb8;
	[tilespmem:$0x10100] =	vst v63  }
0x67: {  	_ = 	snop  }
0x68: {  	[tilespmem:s11], [sflag:$0x1] =	stream.indirect_vreg.gather [hbm4b:s1+s3], $0x80, v3, vm0, $0xb8;
	[tilespmem:$0x10100] =	vst v63  }
0x69: {  	v3 =	vld [tilespmem:$0x70];
	_ =	sdelay $0x4  }
0x6a: {  	v55 =	vshll.u32 v3, $0x1  }
0x6b: {  	v3 =	vand.u32 $0x7, v3;
	v4 =	vand.u32 $0xFFFFFFF0, v55  }
0x6c: {  	v3 =	vor.u32 v3, v4  }
0x6d: {  	v4 =	vperm.xlane v3, v0;
	_ =	sdelay $0x1  }
0x6e: {  	v3 =	vperm.xlane v3, v2;
	v4 =	vadd.s32 v1, v4;
	_ =	sdelay $0x1  }
0x6f: {  	v3 =	vadd.s32 v1, v3;
	_ =	sdelay $0x2  }
0x70: {  	[tilespmem:s12], [sflag:$0x1] =	stream.indirect_vreg.gather [hbm4b:s1+s3], $0x80, v4, vm0, $0xb8;
	[tilespmem:$0x10100] =	vst v63  }
0x71: {  	_ = 	snop  }
0x72: {  	[tilespmem:s13], [sflag:$0x1] =	stream.indirect_vreg.gather [hbm4b:s1+s3], $0x80, v3, vm0, $0xb8;
	[tilespmem:$0x10100] =	vst v63  }
0x73: {  	s8 =	rddreg [dreg:$0x5]  }
0x74: {  	[tilespmem:s14], [sflag:$0x2] =	stream.linear.gather [hbm4b:s8+s3], $0x80, $0x38;
	[tilespmem:$0x10100] =	vst v63  }
0x75: {  	_ =	swait.ge [sflag:s6], $0x80  }
0x76: {  	[sflag:s6] =	ssyncset.done $0x0  }
0x77: {  	[sflag:s6] =	ssyncadd.s32 $0xFFFFFF80  }
0x78: {  	v3 =	vld [tilespmem:$0x80];
	_ =	sdelay $0x4  }
0x79: {  	v56 =	vshll.u32 v3, $0x1  }
0x7a: {  	v3 =	vand.u32 $0x7, v3;
	v4 =	vand.u32 $0xFFFFFFF0, v56  }
0x7b: {  	v3 =	vor.u32 v3, v4  }
0x7c: {  	v4 =	vperm.xlane v3, v0;
	_ =	sdelay $0x1  }
0x7d: {  	v3 =	vperm.xlane v3, v2;
	v4 =	vadd.s32 v1, v4;
	_ =	sdelay $0x1  }
0x7e: {  	v3 =	vadd.s32 v1, v3;
	_ =	sdelay $0x2  }
0x7f: {  	[tilespmem:s15], [sflag:$0x1] =	stream.indirect_vreg.gather [hbm4b:s1+s3], $0x80, v4, vm0, $0xb8;
	[tilespmem:$0x10100] =	vst v63  }
0x80: {  	_ = 	snop  }
0x81: {  	[tilespmem:s16], [sflag:$0x1] =	stream.indirect_vreg.gather [hbm4b:s1+s3], $0x80, v3, vm0, $0xb8;
	[tilespmem:$0x10100] =	vst v63  }
0x82: {  	v3 =	vld [tilespmem:$0x90];
	_ =	sdelay $0x4  }
0x83: {  	v57 =	vshll.u32 v3, $0x1  }
0x84: {  	v3 =	vand.u32 $0x7, v3;
	v4 =	vand.u32 $0xFFFFFFF0, v57  }
0x85: {  	v3 =	vor.u32 v3, v4  }
0x86: {  	v4 =	vperm.xlane v3, v0;
	_ =	sdelay $0x1  }
0x87: {  	v3 =	vperm.xlane v3, v2;
	v4 =	vadd.s32 v1, v4;
	_ =	sdelay $0x1  }
0x88: {  	v3 =	vadd.s32 v1, v3;
	_ =	sdelay $0x2  }
0x89: {  	[tilespmem:s17], [sflag:$0x1] =	stream.indirect_vreg.gather [hbm4b:s1+s3], $0x80, v4, vm0, $0xb8;
	[tilespmem:$0x10100] =	vst v63  }
0x8a: {  	_ = 	snop  }
0x8b: {  	[tilespmem:s18], [sflag:$0x1] =	stream.indirect_vreg.gather [hbm4b:s1+s3], $0x80, v3, vm0, $0xb8;
	[tilespmem:$0x10100] =	vst v63  }
0x8c: {  	v3 =	vld [tilespmem:$0xA0];
	_ =	sdelay $0x4  }
0x8d: {  	v58 =	vshll.u32 v3, $0x1  }
0x8e: {  	v3 =	vand.u32 $0x7, v3;
	v4 =	vand.u32 $0xFFFFFFF0, v58  }
0x8f: {  	v3 =	vor.u32 v3, v4  }
0x90: {  	v4 =	vperm.xlane v3, v0;
	_ =	sdelay $0x1  }
0x91: {  	v3 =	vperm.xlane v3, v2;
	v4 =	vadd.s32 v1, v4;
	_ =	sdelay $0x1  }
0x92: {  	v3 =	vadd.s32 v1, v3;
	_ =	sdelay $0x2  }
0x93: {  	[tilespmem:s19], [sflag:$0x1] =	stream.indirect_vreg.gather [hbm4b:s1+s3], $0x80, v4, vm0, $0xb8;
	[tilespmem:$0x10100] =	vst v63  }
0x94: {  	_ = 	snop  }
0x95: {  	[tilespmem:s20], [sflag:$0x1] =	stream.indirect_vreg.gather [hbm4b:s1+s3], $0x80, v3, vm0, $0xb8;
	[tilespmem:$0x10100] =	vst v63  }
0x96: {  	v3 =	vld [tilespmem:$0xB0];
	_ =	sdelay $0x4  }
0x97: {  	v59 =	vshll.u32 v3, $0x1  }
0x98: {  	v3 =	vand.u32 $0x7, v3;
	v4 =	vand.u32 $0xFFFFFFF0, v59  }
0x99: {  	v3 =	vor.u32 v3, v4  }
0x9a: {  	v4 =	vperm.xlane v3, v0;
	_ =	sdelay $0x1  }
0x9b: {  	v3 =	vperm.xlane v3, v2;
	v4 =	vadd.s32 v1, v4;
	_ =	sdelay $0x1  }
0x9c: {  	v3 =	vadd.s32 v1, v3;
	_ =	sdelay $0x2  }
0x9d: {  	[tilespmem:s21], [sflag:$0x1] =	stream.indirect_vreg.gather [hbm4b:s1+s3], $0x80, v4, vm0, $0xb8;
	[tilespmem:$0x10100] =	vst v63  }
0x9e: {  	_ = 	snop  }
0x9f: {  	[tilespmem:s22], [sflag:$0x1] =	stream.indirect_vreg.gather [hbm4b:s1+s3], $0x80, v3, vm0, $0xb8;
	[tilespmem:$0x10100] =	vst v63  }
0xa0: {  	v3 =	vld [tilespmem:$0xC0];
	_ =	sdelay $0x4  }
0xa1: {  	v60 =	vshll.u32 v3, $0x1  }
0xa2: {  	v3 =	vand.u32 $0x7, v3;
	v4 =	vand.u32 $0xFFFFFFF0, v60  }
0xa3: {  	v3 =	vor.u32 v3, v4  }
0xa4: {  	v4 =	vperm.xlane v3, v0;
	_ =	sdelay $0x1  }
0xa5: {  	v3 =	vperm.xlane v3, v2;
	v4 =	vadd.s32 v1, v4;
	_ =	sdelay $0x1  }
0xa6: {  	v3 =	vadd.s32 v1, v3;
	_ =	sdelay $0x2  }
0xa7: {  	[tilespmem:s23], [sflag:$0x1] =	stream.indirect_vreg.gather [hbm4b:s1+s3], $0x80, v4, vm0, $0xb8;
	[tilespmem:$0x10100] =	vst v63  }
0xa8: {  	_ = 	snop  }
0xa9: {  	[tilespmem:s24], [sflag:$0x1] =	stream.indirect_vreg.gather [hbm4b:s1+s3], $0x80, v3, vm0, $0xb8;
	[tilespmem:$0x10100] =	vst v63  }
0xaa: {  	v3 =	vld [tilespmem:$0xD0];
	_ =	sdelay $0x4  }
0xab: {  	v61 =	vshll.u32 v3, $0x1  }
0xac: {  	v3 =	vand.u32 $0x7, v3;
	v4 =	vand.u32 $0xFFFFFFF0, v61  }
0xad: {  	v3 =	vor.u32 v3, v4  }
0xae: {  	v4 =	vperm.xlane v3, v0;
	_ =	sdelay $0x1  }
0xaf: {  	v3 =	vperm.xlane v3, v2;
	v4 =	vadd.s32 v1, v4;
	_ =	sdelay $0x1  }
0xb0: {  	v3 =	vadd.s32 v1, v3;
	_ =	sdelay $0x2  }
0xb1: {  	[tilespmem:s25], [sflag:$0x1] =	stream.indirect_vreg.gather [hbm4b:s1+s3], $0x80, v4, vm0, $0xb8;
	[tilespmem:$0x10100] =	vst v63  }
0xb2: {  	_ = 	snop  }
0xb3: {  	[tilespmem:s26], [sflag:$0x1] =	stream.indirect_vreg.gather [hbm4b:s1+s3], $0x80, v3, vm0, $0xb8;
	[tilespmem:$0x10100] =	vst v63  }
0xb4: {  	v3 =	vld [tilespmem:$0xE0];
	_ =	sdelay $0x4  }
0xb5: {  	v62 =	vshll.u32 v3, $0x1  }
0xb6: {  	v3 =	vand.u32 $0x7, v3;
	v4 =	vand.u32 $0xFFFFFFF0, v62  }
0xb7: {  	v3 =	vor.u32 v3, v4  }
0xb8: {  	v4 =	vperm.xlane v3, v0;
	_ =	sdelay $0x1  }
0xb9: {  	v3 =	vperm.xlane v3, v2;
	v4 =	vadd.s32 v1, v4;
	_ =	sdelay $0x1  }
0xba: {  	v3 =	vadd.s32 v1, v3;
	_ =	sdelay $0x2  }
0xbb: {  	[tilespmem:s28], [sflag:$0x1] =	stream.indirect_vreg.gather [hbm4b:s1+s3], $0x80, v4, vm0, $0xb8;
	[tilespmem:$0x10100] =	vst v63  }
0xbc: {  	_ = 	snop  }
0xbd: {  	[tilespmem:s29], [sflag:$0x1] =	stream.indirect_vreg.gather [hbm4b:s1+s3], $0x80, v3, vm0, $0xb8;
	[tilespmem:$0x10100] =	vst v63  }
0xbe: {  	v3 =	vld [tilespmem:$0xF0];
	_ =	sdelay $0x4  }
0xbf: {  	v63 =	vshll.u32 v3, $0x1  }
0xc0: {  	v3 =	vand.u32 $0x7, v3;
	v4 =	vand.u32 $0xFFFFFFF0, v63  }
0xc1: {  	v3 =	vor.u32 v3, v4  }
0xc2: {  	v4 =	vperm.xlane v3, v0;
	_ =	sdelay $0x1  }
0xc3: {  	v3 =	vperm.xlane v3, v2;
	v4 =	vadd.s32 v1, v4;
	_ =	sdelay $0x1  }
0xc4: {  	v3 =	vadd.s32 v1, v3;
	_ =	sdelay $0x2  }
0xc5: {  	[tilespmem:s30], [sflag:$0x1] =	stream.indirect_vreg.gather [hbm4b:s1+s3], $0x80, v4, vm0, $0xb8;
	[tilespmem:$0x10100] =	vst v63  }
0xc6: {  	_ = 	snop  }
0xc7: {  	[tilespmem:s31], [sflag:$0x1] =	stream.indirect_vreg.gather [hbm4b:s1+s3], $0x80, v3, vm0, $0xb8;
	[tilespmem:$0x10100] =	vst v63  }
0xc8: {  	_ =	swait.ge [sflag:s2], $0x8000  }
0xc9: {  	[sflag:s2] =	ssyncset.done $0x0  }
0xca: {  	[sflag:s2] =	ssyncadd.s32 $0xFFFF8000  }
0xcb: {  	[hbm4b:s4+s3] =	stream.linear.scatter [tilespmem:s7], [sflag:$0x2], $0x8000, $0x38;
	[tilespmem:$0x10100] =	vst v63  }
0xcc: {  	_ =	swait.ge [sflag:s6], $0x8000  }
0xcd: {  	[sflag:s6] =	ssyncset.done $0x0  }
0xce: {  	[sflag:s6] =	ssyncadd.s32 $0xFFFF8000  }
0xcf: {  	_ =	swait.ge [sflag:s2], $0x8000  }
0xd0: {  	p0 =	sne.s32 s5, $0x1;
	[sflag:s2] =	ssyncset.done $0x0  }
.Ltmp0:
0xd1: {  	s8 =	rddreg [dreg:$0x6];
	[sflag:s2] =	ssyncadd.s32 $0xFFFF8000;
	(pc) =	sbr.rel @p0 .LBB2_1-.Ltmp0, $4  }
0xd2: {  	[hbm4b:s8+s3] =	stream.linear.scatter [tilespmem:s15], [sflag:$0x2], $0x8000, $0x38;
	[tilespmem:$0x10100] =	vst v63  }
0xd3: {  	_ =	swait.ge [sflag:s6], $0x8000  }
0xd4: {  	[sflag:s6] =	ssyncset.done $0x0  }
0xd5: {  	s5 =	sadd.s32 $0xFFFFFFFF, s5;
	[sflag:s6] =	ssyncadd.s32 $0xFFFF8000  }
0xd6: {  	_ =	sfence.sel $0x180000  }
0xd7: {  	[bflag:$0x0] =	sbarrier.arrive $0xFFFF  }
0xd8: {  	_ =	strace $0x90000047  }
0xd9: {  	s0 =	stileid.u32;
	[bflag:$0x2] =	sbarrier.arrive $0xFFFF  }
0xda: {  	p0 =	sne.s32 s0, $0x0;
	s0 =	rddreg [dreg:$0x3]  }
0xdb: {  	s0 =	sadd.s32 @!p0 $0x100000, s0  }
0xdc: {  	[sflag:s0] =	ssyncadd.tile.s32 @!p0 $0x1;
	_ =	shalt  }
.Lfunc_end2:
_tile_overlayer_lowered:
.L_overlay_start_2:
0xdd: {  	(tag) =	ssettag $0x2  }
0xde: {  	s0 =	rddreg [dreg:$0x0];
	s2 =	stileid.u32  }
0xdf: {  	s1 =	rddreg [dreg:$0x1];
	p0 =	sne.s32 s2, $0x0  }
0xe0: {  	s3 =	rddreg [dreg:$0x2];
	[bflag:$0x3] =	sbarrier.arrive $0xFFFF;
	s2 =	simm.s32 @!p0 $0x1C02  }
0xe1: {  	[timem:s3], [sflag:s2] =	dma.local @!p0 [hbm:s0], s1  }
0xe2: {  	s0 =	simm.s32 @!p0 $0x2  }
0xe3: {  	_ =	swait.ge @!p0 [sflag:s0], s1  }
0xe4: {  	s1 =	ssub.s32 @!p0 $0x0, s1;
	[sflag:s0] =	ssyncset.done @!p0 $0x0  }
0xe5: {  	[sflag:s0] =	ssyncadd.s32 @!p0 s1  }
0xe6: {  	[bflag:$0x3] =	sbarrier.arrive $0xFFFF  }
0xe7: {  	_ =	shalt  }

</sc_bundles>
